<compile_context>
chip_gen: v7x
topology: tpu7x:2x2x1
jax: 0.10.2.dev20260603
libtpu: 0.0.44.dev20260713+nightly
codegen_flags: <defaults>
</compile_context>

<pallas_src>
import functools

import jax
import jax.numpy as jnp
from jax import lax
from jax.experimental import pallas as pl
from jax.experimental.pallas import tpu as pltpu
from jax.experimental.pallas import tpu_sc as plsc

_B, _L, _V, _D, _H, _O = 16, 512, 1000000, 128, 128, 128

_NW = 32
_CHUNK = 128
_TOK = _B * _L
_PER_W = _TOK // _NW
_NCH = _PER_W // _CHUNK
_ROWS_PER_B = _L // _PER_W


def _sc_gather_body(table_hbm, wid_hbm, xw_hbm, idxw_v, rows_w, sem):
    wid = lax.axis_index("s") * 2 + lax.axis_index("c")
    row = wid // _ROWS_PER_B
    col = (wid % _ROWS_PER_B) * _PER_W
    for k in range(_NCH):
        pltpu.sync_copy(wid_hbm.at[row, pl.ds(col + k * _CHUNK, _CHUNK)],
                        idxw_v.at[k])
    cps = [pltpu.async_copy(table_hbm.at[idxw_v.at[k]], rows_w.at[k], sem)
           for k in range(_NCH)]
    for c in cps:
        c.wait()
    pltpu.sync_copy(rows_w, xw_hbm.at[wid])


@functools.cache
def _sc_gather():
    return pl.kernel(
        _sc_gather_body,
        out_type=jax.ShapeDtypeStruct((_NW, _NCH, _CHUNK, _D), jnp.float32),
        mesh=plsc.VectorSubcoreMesh(core_axis_name="c", subcore_axis_name="s"),
        scratch_types=[
            pltpu.VMEM((_NCH, _CHUNK), jnp.int32),
            pltpu.VMEM((_NCH, _CHUNK, _D), jnp.float32),
            pltpu.SemaphoreType.DMA,
        ],
    )


_NDOC = 2


def _tc_gcn_body(im_ref, a_ref, xw_ref, me_ref, w1_ref, b1_ref, w2_ref,
                 b2_ref, o_ref):
    g = pl.program_id(0)
    me = me_ref[...]
    diff = me[1:2] - me[0:1]
    w1 = w1_ref[...]
    b1v = b1_ref[...]
    w2 = w2_ref[...]
    b2v = b2_ref[...]
    for j in range(_NDOC):
        m = im_ref[pl.ds(_NDOC * g + j, 1), :].astype(jnp.float32)
        contrib = lax.dot_general(
            m, diff, (((0,), (0,)), ((), ())),
            preferred_element_type=jnp.float32)
        x = xw_ref[j] + me[0:1] + contrib
        a_mat = a_ref[j]
        ax = jnp.dot(a_mat, x, preferred_element_type=jnp.float32)
        h = jnp.maximum(
            jnp.dot(ax, w1, preferred_element_type=jnp.float32) + b1v, 0.0)
        ah = jnp.dot(a_mat, h, preferred_element_type=jnp.float32)
        o_ref[j] = jnp.dot(ah, w2, preferred_element_type=jnp.float32) + b2v


def _tc_gcn(i_mask, paris_mat, xw, mask_embedding, W1, b1, W2, b2):
    return pl.pallas_call(
        _tc_gcn_body,
        grid=(_B // _NDOC,),
        in_specs=[
            pl.BlockSpec((_B, _L), lambda g: (0, 0)),
            pl.BlockSpec((_NDOC, _L, _L), lambda g: (g, 0, 0)),
            pl.BlockSpec((_NDOC, _L, _D), lambda g: (g, 0, 0)),
            pl.BlockSpec((2, _D), lambda g: (0, 0)),
            pl.BlockSpec((_D, _H), lambda g: (0, 0)),
            pl.BlockSpec((1, _H), lambda g: (0, 0)),
            pl.BlockSpec((_H, _O), lambda g: (0, 0)),
            pl.BlockSpec((1, _O), lambda g: (0, 0)),
        ],
        out_specs=pl.BlockSpec((_NDOC, _L, _O), lambda g: (g, 0, 0)),
        out_shape=jax.ShapeDtypeStruct((_B, _L, _O), jnp.float32),
        compiler_params=pltpu.CompilerParams(
            dimension_semantics=("arbitrary",)),
    )(i_mask, paris_mat, xw, mask_embedding, W1, b1, W2, b2)


def kernel(words2ids, i_mask, paris_mat, w_embedding, mask_embedding, W1, b1, W2, b2):
    xw = _sc_gather()(w_embedding, words2ids).reshape(_B, _L, _D)
    return _tc_gcn(i_mask, paris_mat, xw, mask_embedding,
                   W1, b1.reshape(1, _H), W2, b2.reshape(1, _O))

# --- scband reference (transcript-rebuilt; emitter-appended) ---
"""Pipeline reference for scband-text-gcn-47648367182506 (READ-ONLY COPY).

The authoritative reference and input builder live on the scoring server;
editing this copy changes nothing except your own understanding.
"""

import jax, jax.numpy as jnp
import numpy as np

B, L, V, D, H, O = 16, 512, 1000000, 128, 128, 128

def setup_inputs(seed: int = 0) -> dict:
    key = jax.random.key(seed)
    ks = jax.random.split(key, 8)
    words2ids = jax.random.randint(ks[0], (B, L), 0, V, dtype=jnp.int64 if jax.config.read('jax_enable_x64') else jnp.int32).astype(jnp.int32)
    i_mask = jax.random.randint(ks[1], (B, L), 0, 2).astype(jnp.int32)
    paris_mat = jax.random.uniform(ks[2], (B, L, L), dtype=jnp.float32) / L
    w_embedding = (jax.random.normal(ks[3], (V, D), dtype=jnp.float32) * 0.02)
    mask_embedding = (jax.random.normal(ks[4], (2, D), dtype=jnp.float32) * 0.02)
    W1 = jax.random.normal(ks[5], (D, H), dtype=jnp.float32) * (1.0 / np.sqrt(D))
    b1 = jnp.zeros((H,), dtype=jnp.float32)
    W2 = jax.random.normal(ks[6], (H, O), dtype=jnp.float32) * (1.0 / np.sqrt(H))
    b2 = jnp.zeros((O,), dtype=jnp.float32)
    return {"words2ids": words2ids, "i_mask": i_mask, "paris_mat": paris_mat,
            "w_embedding": w_embedding, "mask_embedding": mask_embedding,
            "W1": W1, "b1": b1, "W2": W2, "b2": b2}

def reference(words2ids, i_mask, paris_mat, w_embedding, mask_embedding, W1, b1, W2, b2):
    # word embedding lookup + mask embedding lookup (SparseCore gathers)
    x = jnp.take(w_embedding, words2ids, axis=0) + jnp.take(mask_embedding, i_mask, axis=0)  # [B, L, D]
    # GraphConvolution layer 1: adj @ x @ W1 + b1, then ReLU
    ax = jnp.einsum('bij,bjd->bid', paris_mat, x)
    h = jax.nn.relu(ax @ W1 + b1)  # [B, L, H]
    # GraphConvolution layer 2: adj @ h @ W2 + b2
    ah = jnp.einsum('bij,bjd->bid', paris_mat, h)
    out = ah @ W2 + b2  # [B, L, O]
    return out

if __name__ == "__main__":
    import jax
    _d = setup_inputs()
    print(jax.jit(kernel)(*tuple(_d.values())))

</pallas_src>

<mosaic_0001>
#map = affine_map<(d0, d1) -> (0, 0)>
#map1 = affine_map<(d0, d1) -> (0, 0, 0, 0)>
module attributes {stable_mosaic.version = 14 : i64} {
  func.func @_sc_gather_body(%arg0: i32, %arg1: i32, %arg2: memref<1000000x128xf32, #tpu.memory_space<hbm>>, %arg3: memref<16x512xi32, #tpu.memory_space<hbm>>, %arg4: memref<32x2x128x128xf32, #tpu.memory_space<hbm>>, %arg5: memref<2x128xi32, #tpu.memory_space<vmem>>, %arg6: memref<2x128x128xf32, #tpu.memory_space<vmem>>, %arg7: memref<!tpu.dma_semaphore, #tpu.memory_space<semaphore_mem>>) attributes {dimension_semantics = [#tpu.dimension_semantics<core_parallel>, #tpu.dimension_semantics<subcore_parallel>], iteration_bounds = array<i64: 2, 16>, scalar_prefetch = 0 : i64, scratch_operands = 3 : i64, tpu.core_type = #tpu.core_type<sc_vector_subcore>, window_params = [{transform_indices = #map}, {transform_indices = #map}, {transform_indices = #map1}]} {
    %mul3A = arith.constant 2 : i32
    %mul3A_0 = arith.muli %arg1, %mul3A : i32
    %add3A = arith.addi %mul3A_0, %arg0 : i32
    %jit3A = arith.constant 2 : i32
    %div3A = arith.divsi %add3A, %jit3A : i32
    %sign3A = arith.constant 0 : i32
    %sign3A_1 = arith.cmpi sgt, %add3A, %sign3A : i32
    %sign3A_2 = arith.extui %sign3A_1 : i1 to i32
    %sign3A_3 = arith.constant 0 : i32
    %sign3A_4 = arith.cmpi slt, %add3A, %sign3A_3 : i32
    %sign3A_5 = arith.extui %sign3A_4 : i1 to i32
    %sign3A_6 = arith.subi %sign3A_2, %sign3A_5 : i32
    %sign3A_7 = arith.constant 0 : i32
    %sign3A_8 = arith.cmpi sgt, %jit3A, %sign3A_7 : i32
    %sign3A_9 = arith.extui %sign3A_8 : i1 to i32
    %sign3A_10 = arith.constant 0 : i32
    %sign3A_11 = arith.cmpi slt, %jit3A, %sign3A_10 : i32
    %sign3A_12 = arith.extui %sign3A_11 : i1 to i32
    %sign3A_13 = arith.subi %sign3A_9, %sign3A_12 : i32
    %ne3A = arith.cmpi ne, %sign3A_6, %sign3A_13 : i32
    %rem3A = arith.remsi %add3A, %jit3A : i32
    %ne3A_14 = arith.constant 0 : i32
    %ne3A_15 = arith.cmpi ne, %rem3A, %ne3A_14 : i32
    %and3A = arith.andi %ne3A, %ne3A_15 : i1
    %sub3A = arith.constant 1 : i32
    %sub3A_16 = arith.subi %div3A, %sub3A : i32
    %select_n3A = arith.select %and3A, %sub3A_16, %div3A : i32
    %jit3A_17 = arith.constant 2 : i32
    %eq3A = arith.constant 0 : i32
    %eq3A_18 = arith.cmpi eq, %jit3A_17, %eq3A : i32
    %jit3A_19 = arith.constant 1 : i32
    %select_n3A_20 = arith.select %eq3A_18, %jit3A_19, %jit3A_17 : i32
    %rem3A_21 = arith.remsi %add3A, %select_n3A_20 : i32
    %ne3A_22 = arith.constant 0 : i32
    %ne3A_23 = arith.cmpi ne, %rem3A_21, %ne3A_22 : i32
    %lt3A = arith.constant 0 : i32
    %lt3A_24 = arith.cmpi slt, %rem3A_21, %lt3A : i32
    %lt3A_25 = arith.constant 0 : i32
    %lt3A_26 = arith.cmpi slt, %select_n3A_20, %lt3A_25 : i32
    %ne3A_27 = arith.xori %lt3A_24, %lt3A_26 : i1
    %and3A_28 = arith.andi %ne3A_27, %ne3A_23 : i1
    %add3A_29 = arith.addi %rem3A_21, %select_n3A_20 : i32
    %select_n3A_30 = arith.select %and3A_28, %add3A_29, %rem3A_21 : i32
    %mul3A_31 = arith.constant 256 : i32
    %mul3A_32 = arith.muli %select_n3A_30, %mul3A_31 : i32
    %add3A_33 = arith.constant 0 : i32
    %add3A_34 = arith.addi %mul3A_32, %add3A_33 : i32
    %run_scoped3A = arith.constant 0 : i32
    "tpu.region"() ({
      %run_scoped3A_84 = tpu.sem_alloc : memref<!tpu.dma_semaphore, #tpu.memory_space<semaphore_mem>>
      %dma_start3A_85 = arith.constant 0 : i32
      %dma_start3A_86 = tpu.memref_slice %arg5[%run_scoped3A, %dma_start3A_85] : memref<2x128xi32, #tpu.memory_space<vmem>> -> memref<1x128xi32, #tpu.memory_space<vmem>>
      %dma_start3A_87 = tpu.memref_squeeze %dma_start3A_86 : memref<1x128xi32, #tpu.memory_space<vmem>> -> memref<128xi32, #tpu.memory_space<vmem>>
      %dma_start3A_88 = tpu.memref_slice %arg3[%select_n3A, %add3A_34] : memref<16x512xi32, #tpu.memory_space<hbm>> -> memref<1x128xi32, #tpu.memory_space<hbm>>
      %dma_start3A_89 = tpu.memref_squeeze %dma_start3A_88 : memref<1x128xi32, #tpu.memory_space<hbm>> -> memref<128xi32, #tpu.memory_space<hbm>>
      %dma_start3A_90 = arith.constant 0 : i32
      %dma_start3A_91 = tpu.memref_slice %arg5[%run_scoped3A, %dma_start3A_90] : memref<2x128xi32, #tpu.memory_space<vmem>> -> memref<1x128xi32, #tpu.memory_space<vmem>>
      %dma_start3A_92 = tpu.memref_squeeze %dma_start3A_91 : memref<1x128xi32, #tpu.memory_space<vmem>> -> memref<128xi32, #tpu.memory_space<vmem>>
      %dma_start3A_93 = tpu.memref_slice %arg3[%select_n3A, %add3A_34] : memref<16x512xi32, #tpu.memory_space<hbm>> -> memref<1x128xi32, #tpu.memory_space<hbm>>
      %dma_start3A_94 = tpu.memref_squeeze %dma_start3A_93 : memref<1x128xi32, #tpu.memory_space<hbm>> -> memref<128xi32, #tpu.memory_space<hbm>>
      tpu.enqueue_dma source(%dma_start3A_94 : memref<128xi32, #tpu.memory_space<hbm>>) target(%dma_start3A_92 : memref<128xi32, #tpu.memory_space<vmem>>) target_semaphore(%run_scoped3A_84 : memref<!tpu.dma_semaphore, #tpu.memory_space<semaphore_mem>>)
      %dma_wait3A_95 = arith.constant 0 : i32
      %dma_wait3A_96 = tpu.memref_slice %arg5[%run_scoped3A, %dma_wait3A_95] : memref<2x128xi32, #tpu.memory_space<vmem>> -> memref<1x128xi32, #tpu.memory_space<vmem>>
      %dma_wait3A_97 = tpu.memref_squeeze %dma_wait3A_96 : memref<1x128xi32, #tpu.memory_space<vmem>> -> memref<128xi32, #tpu.memory_space<vmem>>
      %dma_wait3A_98 = tpu.memref_slice %arg3[%select_n3A, %add3A_34] : memref<16x512xi32, #tpu.memory_space<hbm>> -> memref<1x128xi32, #tpu.memory_space<hbm>>
      %dma_wait3A_99 = tpu.memref_squeeze %dma_wait3A_98 : memref<1x128xi32, #tpu.memory_space<hbm>> -> memref<128xi32, #tpu.memory_space<hbm>>
      %dma_wait3A_100 = arith.constant 0 : i32
      %dma_wait3A_101 = tpu.memref_slice %arg5[%run_scoped3A, %dma_wait3A_100] : memref<2x128xi32, #tpu.memory_space<vmem>> -> memref<1x128xi32, #tpu.memory_space<vmem>>
      %dma_wait3A_102 = tpu.memref_squeeze %dma_wait3A_101 : memref<1x128xi32, #tpu.memory_space<vmem>> -> memref<128xi32, #tpu.memory_space<vmem>>
      %dma_wait3A_103 = tpu.memref_slice %arg3[%select_n3A, %add3A_34] : memref<16x512xi32, #tpu.memory_space<hbm>> -> memref<1x128xi32, #tpu.memory_space<hbm>>
      %dma_wait3A_104 = tpu.memref_squeeze %dma_wait3A_103 : memref<1x128xi32, #tpu.memory_space<hbm>> -> memref<128xi32, #tpu.memory_space<hbm>>
      tpu.wait_dma2 semaphore(%run_scoped3A_84 : memref<!tpu.dma_semaphore, #tpu.memory_space<semaphore_mem>>) src(%dma_wait3A_104 : memref<128xi32, #tpu.memory_space<hbm>>) dst(%dma_wait3A_102 : memref<128xi32, #tpu.memory_space<vmem>>)
      tpu.yield
    }) : () -> ()
    %add3A_35 = arith.constant 128 : i32
    %add3A_36 = arith.addi %mul3A_32, %add3A_35 : i32
    %run_scoped3A_37 = arith.constant 1 : i32
    "tpu.region"() ({
      %run_scoped3A_84 = tpu.sem_alloc : memref<!tpu.dma_semaphore, #tpu.memory_space<semaphore_mem>>
      %dma_start3A_85 = arith.constant 0 : i32
      %dma_start3A_86 = tpu.memref_slice %arg5[%run_scoped3A_37, %dma_start3A_85] : memref<2x128xi32, #tpu.memory_space<vmem>> -> memref<1x128xi32, #tpu.memory_space<vmem>>
      %dma_start3A_87 = tpu.memref_squeeze %dma_start3A_86 : memref<1x128xi32, #tpu.memory_space<vmem>> -> memref<128xi32, #tpu.memory_space<vmem>>
      %dma_start3A_88 = tpu.memref_slice %arg3[%select_n3A, %add3A_36] : memref<16x512xi32, #tpu.memory_space<hbm>> -> memref<1x128xi32, #tpu.memory_space<hbm>>
      %dma_start3A_89 = tpu.memref_squeeze %dma_start3A_88 : memref<1x128xi32, #tpu.memory_space<hbm>> -> memref<128xi32, #tpu.memory_space<hbm>>
      %dma_start3A_90 = arith.constant 0 : i32
      %dma_start3A_91 = tpu.memref_slice %arg5[%run_scoped3A_37, %dma_start3A_90] : memref<2x128xi32, #tpu.memory_space<vmem>> -> memref<1x128xi32, #tpu.memory_space<vmem>>
      %dma_start3A_92 = tpu.memref_squeeze %dma_start3A_91 : memref<1x128xi32, #tpu.memory_space<vmem>> -> memref<128xi32, #tpu.memory_space<vmem>>
      %dma_start3A_93 = tpu.memref_slice %arg3[%select_n3A, %add3A_36] : memref<16x512xi32, #tpu.memory_space<hbm>> -> memref<1x128xi32, #tpu.memory_space<hbm>>
      %dma_start3A_94 = tpu.memref_squeeze %dma_start3A_93 : memref<1x128xi32, #tpu.memory_space<hbm>> -> memref<128xi32, #tpu.memory_space<hbm>>
      tpu.enqueue_dma source(%dma_start3A_94 : memref<128xi32, #tpu.memory_space<hbm>>) target(%dma_start3A_92 : memref<128xi32, #tpu.memory_space<vmem>>) target_semaphore(%run_scoped3A_84 : memref<!tpu.dma_semaphore, #tpu.memory_space<semaphore_mem>>)
      %dma_wait3A_95 = arith.constant 0 : i32
      %dma_wait3A_96 = tpu.memref_slice %arg5[%run_scoped3A_37, %dma_wait3A_95] : memref<2x128xi32, #tpu.memory_space<vmem>> -> memref<1x128xi32, #tpu.memory_space<vmem>>
      %dma_wait3A_97 = tpu.memref_squeeze %dma_wait3A_96 : memref<1x128xi32, #tpu.memory_space<vmem>> -> memref<128xi32, #tpu.memory_space<vmem>>
      %dma_wait3A_98 = tpu.memref_slice %arg3[%select_n3A, %add3A_36] : memref<16x512xi32, #tpu.memory_space<hbm>> -> memref<1x128xi32, #tpu.memory_space<hbm>>
      %dma_wait3A_99 = tpu.memref_squeeze %dma_wait3A_98 : memref<1x128xi32, #tpu.memory_space<hbm>> -> memref<128xi32, #tpu.memory_space<hbm>>
      %dma_wait3A_100 = arith.constant 0 : i32
      %dma_wait3A_101 = tpu.memref_slice %arg5[%run_scoped3A_37, %dma_wait3A_100] : memref<2x128xi32, #tpu.memory_space<vmem>> -> memref<1x128xi32, #tpu.memory_space<vmem>>
      %dma_wait3A_102 = tpu.memref_squeeze %dma_wait3A_101 : memref<1x128xi32, #tpu.memory_space<vmem>> -> memref<128xi32, #tpu.memory_space<vmem>>
      %dma_wait3A_103 = tpu.memref_slice %arg3[%select_n3A, %add3A_36] : memref<16x512xi32, #tpu.memory_space<hbm>> -> memref<1x128xi32, #tpu.memory_space<hbm>>
      %dma_wait3A_104 = tpu.memref_squeeze %dma_wait3A_103 : memref<1x128xi32, #tpu.memory_space<hbm>> -> memref<128xi32, #tpu.memory_space<hbm>>
      tpu.wait_dma2 semaphore(%run_scoped3A_84 : memref<!tpu.dma_semaphore, #tpu.memory_space<semaphore_mem>>) src(%dma_wait3A_104 : memref<128xi32, #tpu.memory_space<hbm>>) dst(%dma_wait3A_102 : memref<128xi32, #tpu.memory_space<vmem>>)
      tpu.yield
    }) : () -> ()
    %dma_start3A = arith.constant 0 : i32
    %dma_start3A_38 = arith.constant 0 : i32
    %dma_start3A_39 = arith.constant 0 : i32
    %dma_start3A_40 = arith.constant 0 : i32
    %dma_start3A_41 = tpu.memref_slice %arg6[%dma_start3A_38, %dma_start3A_39, %dma_start3A_40] : memref<2x128x128xf32, #tpu.memory_space<vmem>> -> memref<1x128x128xf32, #tpu.memory_space<vmem>>
    %dma_start3A_42 = tpu.memref_squeeze %dma_start3A_41 : memref<1x128x128xf32, #tpu.memory_space<vmem>> -> memref<128x128xf32, #tpu.memory_space<vmem>>
    %dma_start3A_43 = arith.constant 0 : i32
    %dma_start3A_44 = tpu.memref_slice %arg5[%dma_start3A, %dma_start3A_43] : memref<2x128xi32, #tpu.memory_space<vmem>> -> memref<1x128xi32, #tpu.memory_space<vmem>>
    %dma_start3A_45 = tpu.memref_squeeze %dma_start3A_44 : memref<1x128xi32, #tpu.memory_space<vmem>> -> memref<128xi32, #tpu.memory_space<vmem>>
    %dma_start3A_46 = arith.constant 0 : i32
    %dma_start3A_47 = arith.constant 0 : i32
    %dma_start3A_48 = tpu.memref_slice %arg2[%dma_start3A_46, %dma_start3A_47] : memref<1000000x128xf32, #tpu.memory_space<hbm>> -> memref<1000000x128xf32, #tpu.memory_space<hbm>>
    tpu.enqueue_indirect_dma source(%dma_start3A_48 : memref<1000000x128xf32, #tpu.memory_space<hbm>>) target(%dma_start3A_42 : memref<128x128xf32, #tpu.memory_space<vmem>>) offsets(%dma_start3A_45 : memref<128xi32, #tpu.memory_space<vmem>>) semaphore(%arg7 : memref<!tpu.dma_semaphore, #tpu.memory_space<semaphore_mem>>)
    %dma_start3A_49 = arith.constant 1 : i32
    %dma_start3A_50 = arith.constant 1 : i32
    %dma_start3A_51 = arith.constant 0 : i32
    %dma_start3A_52 = arith.constant 0 : i32
    %dma_start3A_53 = tpu.memref_slice %arg6[%dma_start3A_50, %dma_start3A_51, %dma_start3A_52] : memref<2x128x128xf32, #tpu.memory_space<vmem>> -> memref<1x128x128xf32, #tpu.memory_space<vmem>>
    %dma_start3A_54 = tpu.memref_squeeze %dma_start3A_53 : memref<1x128x128xf32, #tpu.memory_space<vmem>> -> memref<128x128xf32, #tpu.memory_space<vmem>>
    %dma_start3A_55 = arith.constant 0 : i32
    %dma_start3A_56 = tpu.memref_slice %arg5[%dma_start3A_49, %dma_start3A_55] : memref<2x128xi32, #tpu.memory_space<vmem>> -> memref<1x128xi32, #tpu.memory_space<vmem>>
    %dma_start3A_57 = tpu.memref_squeeze %dma_start3A_56 : memref<1x128xi32, #tpu.memory_space<vmem>> -> memref<128xi32, #tpu.memory_space<vmem>>
    %dma_start3A_58 = arith.constant 0 : i32
    %dma_start3A_59 = arith.constant 0 : i32
    %dma_start3A_60 = tpu.memref_slice %arg2[%dma_start3A_58, %dma_start3A_59] : memref<1000000x128xf32, #tpu.memory_space<hbm>> -> memref<1000000x128xf32, #tpu.memory_space<hbm>>
    tpu.enqueue_indirect_dma source(%dma_start3A_60 : memref<1000000x128xf32, #tpu.memory_space<hbm>>) target(%dma_start3A_54 : memref<128x128xf32, #tpu.memory_space<vmem>>) offsets(%dma_start3A_57 : memref<128xi32, #tpu.memory_space<vmem>>) semaphore(%arg7 : memref<!tpu.dma_semaphore, #tpu.memory_space<semaphore_mem>>)
    %dma_wait3A = arith.constant 0 : i32
    %dma_wait3A_61 = arith.constant 0 : i32
    %dma_wait3A_62 = arith.constant 0 : i32
    %dma_wait3A_63 = arith.constant 0 : i32
    %dma_wait3A_64 = tpu.memref_slice %arg6[%dma_wait3A_61, %dma_wait3A_62, %dma_wait3A_63] : memref<2x128x128xf32, #tpu.memory_space<vmem>> -> memref<1x128x128xf32, #tpu.memory_space<vmem>>
    %dma_wait3A_65 = tpu.memref_squeeze %dma_wait3A_64 : memref<1x128x128xf32, #tpu.memory_space<vmem>> -> memref<128x128xf32, #tpu.memory_space<vmem>>
    %dma_wait3A_66 = arith.constant 0 : i32
    %dma_wait3A_67 = tpu.memref_slice %arg5[%dma_wait3A, %dma_wait3A_66] : memref<2x128xi32, #tpu.memory_space<vmem>> -> memref<1x128xi32, #tpu.memory_space<vmem>>
    %dma_wait3A_68 = tpu.memref_squeeze %dma_wait3A_67 : memref<1x128xi32, #tpu.memory_space<vmem>> -> memref<128xi32, #tpu.memory_space<vmem>>
    %dma_wait3A_69 = arith.constant 0 : i32
    %dma_wait3A_70 = arith.constant 0 : i32
    %dma_wait3A_71 = tpu.memref_slice %arg2[%dma_wait3A_69, %dma_wait3A_70] : memref<1000000x128xf32, #tpu.memory_space<hbm>> -> memref<1000000x128xf32, #tpu.memory_space<hbm>>
    tpu.wait_indirect_dma semaphore(%arg7 : memref<!tpu.dma_semaphore, #tpu.memory_space<semaphore_mem>>) src(%dma_wait3A_71 : memref<1000000x128xf32, #tpu.memory_space<hbm>>) dst(%dma_wait3A_65 : memref<128x128xf32, #tpu.memory_space<vmem>>)
    %dma_wait3A_72 = arith.constant 1 : i32
    %dma_wait3A_73 = arith.constant 1 : i32
    %dma_wait3A_74 = arith.constant 0 : i32
    %dma_wait3A_75 = arith.constant 0 : i32
    %dma_wait3A_76 = tpu.memref_slice %arg6[%dma_wait3A_73, %dma_wait3A_74, %dma_wait3A_75] : memref<2x128x128xf32, #tpu.memory_space<vmem>> -> memref<1x128x128xf32, #tpu.memory_space<vmem>>
    %dma_wait3A_77 = tpu.memref_squeeze %dma_wait3A_76 : memref<1x128x128xf32, #tpu.memory_space<vmem>> -> memref<128x128xf32, #tpu.memory_space<vmem>>
    %dma_wait3A_78 = arith.constant 0 : i32
    %dma_wait3A_79 = tpu.memref_slice %arg5[%dma_wait3A_72, %dma_wait3A_78] : memref<2x128xi32, #tpu.memory_space<vmem>> -> memref<1x128xi32, #tpu.memory_space<vmem>>
    %dma_wait3A_80 = tpu.memref_squeeze %dma_wait3A_79 : memref<1x128xi32, #tpu.memory_space<vmem>> -> memref<128xi32, #tpu.memory_space<vmem>>
    %dma_wait3A_81 = arith.constant 0 : i32
    %dma_wait3A_82 = arith.constant 0 : i32
    %dma_wait3A_83 = tpu.memref_slice %arg2[%dma_wait3A_81, %dma_wait3A_82] : memref<1000000x128xf32, #tpu.memory_space<hbm>> -> memref<1000000x128xf32, #tpu.memory_space<hbm>>
    tpu.wait_indirect_dma semaphore(%arg7 : memref<!tpu.dma_semaphore, #tpu.memory_space<semaphore_mem>>) src(%dma_wait3A_83 : memref<1000000x128xf32, #tpu.memory_space<hbm>>) dst(%dma_wait3A_77 : memref<128x128xf32, #tpu.memory_space<vmem>>)
    "tpu.region"() ({
      %run_scoped3A_84 = tpu.sem_alloc : memref<!tpu.dma_semaphore, #tpu.memory_space<semaphore_mem>>
      %dma_start3A_85 = arith.constant 0 : i32
      %dma_start3A_86 = arith.constant 0 : i32
      %dma_start3A_87 = arith.constant 0 : i32
      %dma_start3A_88 = tpu.memref_slice %arg4[%add3A, %dma_start3A_85, %dma_start3A_86, %dma_start3A_87] : memref<32x2x128x128xf32, #tpu.memory_space<hbm>> -> memref<1x2x128x128xf32, #tpu.memory_space<hbm>>
      %dma_start3A_89 = tpu.memref_squeeze %dma_start3A_88 : memref<1x2x128x128xf32, #tpu.memory_space<hbm>> -> memref<2x128x128xf32, #tpu.memory_space<hbm>>
      %dma_start3A_90 = arith.constant 0 : i32
      %dma_start3A_91 = arith.constant 0 : i32
      %dma_start3A_92 = arith.constant 0 : i32
      %dma_start3A_93 = tpu.memref_slice %arg4[%add3A, %dma_start3A_90, %dma_start3A_91, %dma_start3A_92] : memref<32x2x128x128xf32, #tpu.memory_space<hbm>> -> memref<1x2x128x128xf32, #tpu.memory_space<hbm>>
      %dma_start3A_94 = tpu.memref_squeeze %dma_start3A_93 : memref<1x2x128x128xf32, #tpu.memory_space<hbm>> -> memref<2x128x128xf32, #tpu.memory_space<hbm>>
      tpu.enqueue_dma source(%arg6 : memref<2x128x128xf32, #tpu.memory_space<vmem>>) target(%dma_start3A_94 : memref<2x128x128xf32, #tpu.memory_space<hbm>>) target_semaphore(%run_scoped3A_84 : memref<!tpu.dma_semaphore, #tpu.memory_space<semaphore_mem>>)
      %dma_wait3A_95 = arith.constant 0 : i32
      %dma_wait3A_96 = arith.constant 0 : i32
      %dma_wait3A_97 = arith.constant 0 : i32
      %dma_wait3A_98 = tpu.memref_slice %arg4[%add3A, %dma_wait3A_95, %dma_wait3A_96, %dma_wait3A_97] : memref<32x2x128x128xf32, #tpu.memory_space<hbm>> -> memref<1x2x128x128xf32, #tpu.memory_space<hbm>>
      %dma_wait3A_99 = tpu.memref_squeeze %dma_wait3A_98 : memref<1x2x128x128xf32, #tpu.memory_space<hbm>> -> memref<2x128x128xf32, #tpu.memory_space<hbm>>
      %dma_wait3A_100 = arith.constant 0 : i32
      %dma_wait3A_101 = arith.constant 0 : i32
      %dma_wait3A_102 = arith.constant 0 : i32
      %dma_wait3A_103 = tpu.memref_slice %arg4[%add3A, %dma_wait3A_100, %dma_wait3A_101, %dma_wait3A_102] : memref<32x2x128x128xf32, #tpu.memory_space<hbm>> -> memref<1x2x128x128xf32, #tpu.memory_space<hbm>>
      %dma_wait3A_104 = tpu.memref_squeeze %dma_wait3A_103 : memref<1x2x128x128xf32, #tpu.memory_space<hbm>> -> memref<2x128x128xf32, #tpu.memory_space<hbm>>
      tpu.wait_dma2 semaphore(%run_scoped3A_84 : memref<!tpu.dma_semaphore, #tpu.memory_space<semaphore_mem>>) src(%arg6 : memref<2x128x128xf32, #tpu.memory_space<vmem>>) dst(%dma_wait3A_104 : memref<2x128x128xf32, #tpu.memory_space<hbm>>)
      tpu.yield
    }) : () -> ()
    return
  }
}

module attributes {stable_mosaic.version = 14 : i64} {
  func.func @_tc_gcn_body(%arg0: i32, %arg1: memref<16x512xi32, #tpu.memory_space<vmem>>, %arg2: memref<2x512x512xf32, #tpu.memory_space<vmem>>, %arg3: memref<2x512x128xf32, #tpu.memory_space<vmem>>, %arg4: memref<2x128xf32, #tpu.memory_space<vmem>>, %arg5: memref<128x128xf32, #tpu.memory_space<vmem>>, %arg6: memref<1x128xf32, #tpu.memory_space<vmem>>, %arg7: memref<128x128xf32, #tpu.memory_space<vmem>>, %arg8: memref<1x128xf32, #tpu.memory_space<vmem>>, %arg9: memref<2x512x128xf32, #tpu.memory_space<vmem>>) attributes {dimension_semantics = [#tpu.dimension_semantics<arbitrary>], iteration_bounds = array<i64: 8>, scalar_prefetch = 0 : i64, scratch_operands = 0 : i64, tpu.core_type = #tpu.core_type<tc>, window_params = [{pipeline_mode = #tpu.pipeline_mode<synchronous>, transform_indices = @transform_0, window_bounds = array<i64: 16, 512>}, {transform_indices = @transform_1, window_bounds = array<i64: 2, 512, 512>}, {transform_indices = @transform_2, window_bounds = array<i64: 2, 512, 128>}, {pipeline_mode = #tpu.pipeline_mode<synchronous>, transform_indices = @transform_3, window_bounds = array<i64: 2, 128>}, {pipeline_mode = #tpu.pipeline_mode<synchronous>, transform_indices = @transform_4, window_bounds = array<i64: 128, 128>}, {pipeline_mode = #tpu.pipeline_mode<synchronous>, transform_indices = @transform_5, window_bounds = array<i64: 1, 128>}, {pipeline_mode = #tpu.pipeline_mode<synchronous>, transform_indices = @transform_6, window_bounds = array<i64: 128, 128>}, {pipeline_mode = #tpu.pipeline_mode<synchronous>, transform_indices = @transform_7, window_bounds = array<i64: 1, 128>}, {transform_indices = @transform_8, window_bounds = array<i64: 2, 512, 128>}]} {
    %get3A = arith.constant 0 : index
    %get3A_0 = arith.constant 0 : index
    %get3A_1 = vector.load %arg4[%get3A, %get3A_0] : memref<2x128xf32, #tpu.memory_space<vmem>>, vector<2x128xf32>
    %slice3A = vector.extract_strided_slice %get3A_1 {offsets = [1, 0], sizes = [1, 128], strides = [1, 1]} : vector<2x128xf32> to vector<1x128xf32>
    %slice3A_2 = vector.extract_strided_slice %get3A_1 {offsets = [0, 0], sizes = [1, 128], strides = [1, 1]} : vector<2x128xf32> to vector<1x128xf32>
    %sub3A = arith.subf %slice3A, %slice3A_2 : vector<1x128xf32>
    %get3A_3 = arith.constant 0 : index
    %get3A_4 = arith.constant 0 : index
    %get3A_5 = vector.load %arg5[%get3A_3, %get3A_4] : memref<128x128xf32, #tpu.memory_space<vmem>>, vector<128x128xf32>
    %get3A_6 = arith.constant 0 : index
    %get3A_7 = arith.constant 0 : index
    %get3A_8 = vector.load %arg6[%get3A_6, %get3A_7] : memref<1x128xf32, #tpu.memory_space<vmem>>, vector<1x128xf32>
    %get3A_9 = arith.constant 0 : index
    %get3A_10 = arith.constant 0 : index
    %get3A_11 = vector.load %arg7[%get3A_9, %get3A_10] : memref<128x128xf32, #tpu.memory_space<vmem>>, vector<128x128xf32>
    %get3A_12 = arith.constant 0 : index
    %get3A_13 = arith.constant 0 : index
    %get3A_14 = vector.load %arg8[%get3A_12, %get3A_13] : memref<1x128xf32, #tpu.memory_space<vmem>>, vector<1x128xf32>
    %mul3A = arith.constant 2 : i32
    %mul3A_15 = arith.muli %mul3A, %arg0 : i32
    %add3A = arith.constant 0 : i32
    %add3A_16 = arith.addi %mul3A_15, %add3A : i32
    %get3A_17 = arith.index_cast %add3A_16 : i32 to index
    %get3A_18 = arith.constant 0 : index
    %get3A_19 = vector.load %arg1[%get3A_17, %get3A_18] : memref<16x512xi32, #tpu.memory_space<vmem>>, vector<1x512xi32>
    %convert_element_type3A = arith.sitofp %get3A_19 : vector<1x512xi32> to vector<1x512xf32>
    %dot_general3A = arith.constant dense<0.000000e+00> : vector<512x128xf32>
    %dot_general3A_20 = tpu.matmul %convert_element_type3A, %sub3A, %dot_general3A {dimension_numbers = #tpu.dot_dimension_numbers<[0], [0], [1], [1], [0, 1, 1, 1], [], []>, transpose_lhs_hint = false} : vector<1x512xf32>, vector<1x128xf32>, vector<512x128xf32> -> vector<512x128xf32>
    %get3A_21 = arith.constant 0 : index
    %get3A_22 = arith.constant 0 : index
    %get3A_23 = arith.constant 0 : index
    %get3A_24 = vector.load %arg3[%get3A_21, %get3A_22, %get3A_23] : memref<2x512x128xf32, #tpu.memory_space<vmem>>, vector<1x512x128xf32>
    %get3A_25 = vector.shape_cast %get3A_24 : vector<1x512x128xf32> to vector<512x128xf32>
    %slice3A_26 = vector.extract_strided_slice %get3A_1 {offsets = [0, 0], sizes = [1, 128], strides = [1, 1]} : vector<2x128xf32> to vector<1x128xf32>
    %add3A_27 = vector.broadcast %slice3A_26 : vector<1x128xf32> to vector<512x128xf32>
    %add3A_28 = arith.addf %get3A_25, %add3A_27 : vector<512x128xf32>
    %add3A_29 = arith.addf %add3A_28, %dot_general3A_20 : vector<512x128xf32>
    %get3A_30 = arith.constant 0 : index
    %get3A_31 = arith.constant 0 : index
    %get3A_32 = arith.constant 0 : index
    %get3A_33 = vector.load %arg2[%get3A_30, %get3A_31, %get3A_32] : memref<2x512x512xf32, #tpu.memory_space<vmem>>, vector<1x512x512xf32>
    %get3A_34 = vector.shape_cast %get3A_33 : vector<1x512x512xf32> to vector<512x512xf32>
    %dot_general3A_35 = arith.constant dense<0.000000e+00> : vector<512x128xf32>
    %dot_general3A_36 = tpu.matmul %get3A_34, %add3A_29, %dot_general3A_35 {dimension_numbers = #tpu.dot_dimension_numbers<[1], [0], [0], [1], [0, 0, 1, 1], [], []>, transpose_lhs_hint = false} : vector<512x512xf32>, vector<512x128xf32>, vector<512x128xf32> -> vector<512x128xf32>
    %dot_general3A_37 = arith.constant dense<0.000000e+00> : vector<512x128xf32>
    %dot_general3A_38 = tpu.matmul %dot_general3A_36, %get3A_5, %dot_general3A_37 {dimension_numbers = #tpu.dot_dimension_numbers<[1], [0], [0], [1], [0, 0, 1, 1], [], []>, transpose_lhs_hint = false} : vector<512x128xf32>, vector<128x128xf32>, vector<512x128xf32> -> vector<512x128xf32>
    %add3A_39 = vector.broadcast %get3A_8 : vector<1x128xf32> to vector<512x128xf32>
    %add3A_40 = arith.addf %dot_general3A_38, %add3A_39 : vector<512x128xf32>
    %max3A = arith.constant 0.000000e+00 : f32
    %max3A_41 = vector.broadcast %max3A : f32 to vector<512x128xf32>
    %max3A_42 = arith.maximumf %add3A_40, %max3A_41 : vector<512x128xf32>
    %dot_general3A_43 = arith.constant dense<0.000000e+00> : vector<512x128xf32>
    %dot_general3A_44 = tpu.matmul %get3A_34, %max3A_42, %dot_general3A_43 {dimension_numbers = #tpu.dot_dimension_numbers<[1], [0], [0], [1], [0, 0, 1, 1], [], []>, transpose_lhs_hint = false} : vector<512x512xf32>, vector<512x128xf32>, vector<512x128xf32> -> vector<512x128xf32>
    %dot_general3A_45 = arith.constant dense<0.000000e+00> : vector<512x128xf32>
    %dot_general3A_46 = tpu.matmul %dot_general3A_44, %get3A_11, %dot_general3A_45 {dimension_numbers = #tpu.dot_dimension_numbers<[1], [0], [0], [1], [0, 0, 1, 1], [], []>, transpose_lhs_hint = false} : vector<512x128xf32>, vector<128x128xf32>, vector<512x128xf32> -> vector<512x128xf32>
    %add3A_47 = vector.broadcast %get3A_14 : vector<1x128xf32> to vector<512x128xf32>
    %add3A_48 = arith.addf %dot_general3A_46, %add3A_47 : vector<512x128xf32>
    %swap3A = arith.constant 0 : index
    %swap3A_49 = arith.constant 0 : index
    %swap3A_50 = arith.constant 0 : index
    %swap3A_51 = vector.load %arg9[%swap3A, %swap3A_49, %swap3A_50] : memref<2x512x128xf32, #tpu.memory_space<vmem>>, vector<1x512x128xf32>
    %swap3A_52 = vector.shape_cast %swap3A_51 : vector<1x512x128xf32> to vector<512x128xf32>
    %swap3A_53 = vector.shape_cast %add3A_48 : vector<512x128xf32> to vector<1x512x128xf32>
    tpu.vector_store %arg9[%swap3A, %swap3A_49, %swap3A_50], %swap3A_53 {strides = array<i32>} : memref<2x512x128xf32, #tpu.memory_space<vmem>>, vector<1x512x128xf32>,
    %mul3A_54 = arith.constant 2 : i32
    %mul3A_55 = arith.muli %mul3A_54, %arg0 : i32
    %add3A_56 = arith.constant 1 : i32
    %add3A_57 = arith.addi %mul3A_55, %add3A_56 : i32
    %get3A_58 = arith.index_cast %add3A_57 : i32 to index
    %get3A_59 = arith.constant 0 : index
    %get3A_60 = vector.load %arg1[%get3A_58, %get3A_59] : memref<16x512xi32, #tpu.memory_space<vmem>>, vector<1x512xi32>
    %convert_element_type3A_61 = arith.sitofp %get3A_60 : vector<1x512xi32> to vector<1x512xf32>
    %dot_general3A_62 = arith.constant dense<0.000000e+00> : vector<512x128xf32>
    %dot_general3A_63 = tpu.matmul %convert_element_type3A_61, %sub3A, %dot_general3A_62 {dimension_numbers = #tpu.dot_dimension_numbers<[0], [0], [1], [1], [0, 1, 1, 1], [], []>, transpose_lhs_hint = false} : vector<1x512xf32>, vector<1x128xf32>, vector<512x128xf32> -> vector<512x128xf32>
    %get3A_64 = arith.constant 1 : index
    %get3A_65 = arith.constant 0 : index
    %get3A_66 = arith.constant 0 : index
    %get3A_67 = vector.load %arg3[%get3A_64, %get3A_65, %get3A_66] : memref<2x512x128xf32, #tpu.memory_space<vmem>>, vector<1x512x128xf32>
    %get3A_68 = vector.shape_cast %get3A_67 : vector<1x512x128xf32> to vector<512x128xf32>
    %slice3A_69 = vector.extract_strided_slice %get3A_1 {offsets = [0, 0], sizes = [1, 128], strides = [1, 1]} : vector<2x128xf32> to vector<1x128xf32>
    %add3A_70 = vector.broadcast %slice3A_69 : vector<1x128xf32> to vector<512x128xf32>
    %add3A_71 = arith.addf %get3A_68, %add3A_70 : vector<512x128xf32>
    %add3A_72 = arith.addf %add3A_71, %dot_general3A_63 : vector<512x128xf32>
    %get3A_73 = arith.constant 1 : index
    %get3A_74 = arith.constant 0 : index
    %get3A_75 = arith.constant 0 : index
    %get3A_76 = vector.load %arg2[%get3A_73, %get3A_74, %get3A_75] : memref<2x512x512xf32, #tpu.memory_space<vmem>>, vector<1x512x512xf32>
    %get3A_77 = vector.shape_cast %get3A_76 : vector<1x512x512xf32> to vector<512x512xf32>
    %dot_general3A_78 = arith.constant dense<0.000000e+00> : vector<512x128xf32>
    %dot_general3A_79 = tpu.matmul %get3A_77, %add3A_72, %dot_general3A_78 {dimension_numbers = #tpu.dot_dimension_numbers<[1], [0], [0], [1], [0, 0, 1, 1], [], []>, transpose_lhs_hint = false} : vector<512x512xf32>, vector<512x128xf32>, vector<512x128xf32> -> vector<512x128xf32>
    %dot_general3A_80 = arith.constant dense<0.000000e+00> : vector<512x128xf32>
    %dot_general3A_81 = tpu.matmul %dot_general3A_79, %get3A_5, %dot_general3A_80 {dimension_numbers = #tpu.dot_dimension_numbers<[1], [0], [0], [1], [0, 0, 1, 1], [], []>, transpose_lhs_hint = false} : vector<512x128xf32>, vector<128x128xf32>, vector<512x128xf32> -> vector<512x128xf32>
    %add3A_82 = vector.broadcast %get3A_8 : vector<1x128xf32> to vector<512x128xf32>
    %add3A_83 = arith.addf %dot_general3A_81, %add3A_82 : vector<512x128xf32>
    %max3A_84 = arith.constant 0.000000e+00 : f32
    %max3A_85 = vector.broadcast %max3A_84 : f32 to vector<512x128xf32>
    %max3A_86 = arith.maximumf %add3A_83, %max3A_85 : vector<512x128xf32>
    %dot_general3A_87 = arith.constant dense<0.000000e+00> : vector<512x128xf32>
    %dot_general3A_88 = tpu.matmul %get3A_77, %max3A_86, %dot_general3A_87 {dimension_numbers = #tpu.dot_dimension_numbers<[1], [0], [0], [1], [0, 0, 1, 1], [], []>, transpose_lhs_hint = false} : vector<512x512xf32>, vector<512x128xf32>, vector<512x128xf32> -> vector<512x128xf32>
    %dot_general3A_89 = arith.constant dense<0.000000e+00> : vector<512x128xf32>
    %dot_general3A_90 = tpu.matmul %dot_general3A_88, %get3A_11, %dot_general3A_89 {dimension_numbers = #tpu.dot_dimension_numbers<[1], [0], [0], [1], [0, 0, 1, 1], [], []>, transpose_lhs_hint = false} : vector<512x128xf32>, vector<128x128xf32>, vector<512x128xf32> -> vector<512x128xf32>
    %add3A_91 = vector.broadcast %get3A_14 : vector<1x128xf32> to vector<512x128xf32>
    %add3A_92 = arith.addf %dot_general3A_90, %add3A_91 : vector<512x128xf32>
    %swap3A_93 = arith.constant 1 : index
    %swap3A_94 = arith.constant 0 : index
    %swap3A_95 = arith.constant 0 : index
    %swap3A_96 = vector.load %arg9[%swap3A_93, %swap3A_94, %swap3A_95] : memref<2x512x128xf32, #tpu.memory_space<vmem>>, vector<1x512x128xf32>
    %swap3A_97 = vector.shape_cast %swap3A_96 : vector<1x512x128xf32> to vector<512x128xf32>
    %swap3A_98 = vector.shape_cast %add3A_92 : vector<512x128xf32> to vector<1x512x128xf32>
    tpu.vector_store %arg9[%swap3A_93, %swap3A_94, %swap3A_95], %swap3A_98 {strides = array<i32>} : memref<2x512x128xf32, #tpu.memory_space<vmem>>, vector<1x512x128xf32>,
    return
  }
  func.func @transform_0(%arg0: i32) -> (i32, i32) {
    %c0_i32 = arith.constant 0 : i32
    %c0_i32_0 = arith.constant 0 : i32
    %c0_i32_1 = arith.constant 0 : i32
    return %c0_i32, %c0_i32_0 : i32, i32
  }
  func.func @transform_1(%arg0: i32) -> (i32, i32, i32) {
    %c0_i32 = arith.constant 0 : i32
    %c0_i32_0 = arith.constant 0 : i32
    %c0_i32_1 = arith.constant 0 : i32
    return %arg0, %c0_i32, %c0_i32_0 : i32, i32, i32
  }
  func.func @transform_2(%arg0: i32) -> (i32, i32, i32) {
    %c0_i32 = arith.constant 0 : i32
    %c0_i32_0 = arith.constant 0 : i32
    %c0_i32_1 = arith.constant 0 : i32
    return %arg0, %c0_i32, %c0_i32_0 : i32, i32, i32
  }
  func.func @transform_3(%arg0: i32) -> (i32, i32) {
    %c0_i32 = arith.constant 0 : i32
    %c0_i32_0 = arith.constant 0 : i32
    %c0_i32_1 = arith.constant 0 : i32
    return %c0_i32, %c0_i32_0 : i32, i32
  }
  func.func @transform_4(%arg0: i32) -> (i32, i32) {
    %c0_i32 = arith.constant 0 : i32
    %c0_i32_0 = arith.constant 0 : i32
    %c0_i32_1 = arith.constant 0 : i32
    return %c0_i32, %c0_i32_0 : i32, i32
  }
  func.func @transform_5(%arg0: i32) -> (i32, i32) {
    %c0_i32 = arith.constant 0 : i32
    %c0_i32_0 = arith.constant 0 : i32
    %c0_i32_1 = arith.constant 0 : i32
    return %c0_i32, %c0_i32_0 : i32, i32
  }
  func.func @transform_6(%arg0: i32) -> (i32, i32) {
    %c0_i32 = arith.constant 0 : i32
    %c0_i32_0 = arith.constant 0 : i32
    %c0_i32_1 = arith.constant 0 : i32
    return %c0_i32, %c0_i32_0 : i32, i32
  }
  func.func @transform_7(%arg0: i32) -> (i32, i32) {
    %c0_i32 = arith.constant 0 : i32
    %c0_i32_0 = arith.constant 0 : i32
    %c0_i32_1 = arith.constant 0 : i32
    return %c0_i32, %c0_i32_0 : i32, i32
  }
  func.func @transform_8(%arg0: i32) -> (i32, i32, i32) {
    %c0_i32 = arith.constant 0 : i32
    %c0_i32_0 = arith.constant 0 : i32
    %c0_i32_1 = arith.constant 0 : i32
    return %arg0, %c0_i32, %c0_i32_0 : i32, i32, i32
  }
}

</mosaic_0001>

<sc_bundles>
// kernel: kernel.4.cloned.1.call-start
scs
__scs_entry_jumppad:
0x0: {  	(pc) =	sbr.rel $0x88, $3  }
0x1: {  	(tag) =	ssettag $0x0;
	lr =	simm.s32 $0x1  }
0x2: {  	[smem:$0x3F98] =	sst lr;
	_ =	strace $0xD0000000  }
0x3: {  	_ = 	snop  }
0x4: {  	_ = 	snop  }
0x5: {  	_ = 	snop  }
0x6: {  	_ = 	snop  }
0x7: {  	_ = 	snop  }
__scs_overlays_trampoline_lowered:
0x8: {  	[smem:$0x3FA7] =	sst s0  }
0x9: {  	[smem:$0x3FA8] =	sst s1  }
0xa: {  	[smem:$0x3FA9] =	sst s2  }
0xb: {  	[smem:$0x3FAA] =	sst s3  }
0xc: {  	[smem:$0x3FAB] =	sst s4  }
0xd: {  	[smem:$0x3FAC] =	sst s5  }
0xe: {  	[smem:$0x3FAD] =	sst s6  }
0xf: {  	[smem:$0x3FAE] =	sst s7  }
0x10: {  	[smem:$0x3FAF] =	sst s8  }
0x11: {  	[smem:$0x3FB0] =	sst s9;
	s0 =	simm.s32 @!p0 $0x0  }
0x12: {  	s1 =	sld [smem:$0x3F96];
	s0 =	simm.s32 @p0 $0x1  }
0x13: {  	[smem:$0x3FB1] =	sst s0;
	s0 =	simm.s32 @!p1 $0x0  }
0x14: {  	s2 =	sld [smem:$0x3F95];
	s0 =	simm.s32 @p1 $0x1  }
0x15: {  	[smem:$0x3FB2] =	sst s0;
	s0 =	simm.s32 @!p2 $0x0  }
0x16: {  	s3 =	sld [smem:$0x3FDB];
	s0 =	simm.s32 @p2 $0x1  }
0x17: {  	s4 =	simm.s32 $0x1BF5;
	[smem:$0x3FB4] =	sst s0  }
0x18: {  	s0 =	sld [smem:$0x3F97];
	_ =	swait.ge [sflag:s4], $0x0  }
0x19: {  	s7 =	sld [smem:$0x3F98]  }
0x1a: {  	s8 =	sadd.s32 $0xFFFFE003, lr  }
0x1b: {  	s9 =	sadd.s32 $0xFFFFFEF7, lr;
	s5 =	simm.s32 $0xFFFFFFFF;
	p2 =	slt.u32 s8, $0xFFFFF086  }
0x1c: {  	p1 =	slt.u32 s9, $0xF7A;
	s5 =	simm.s32 @!p2 $0x0  }
0x1d: {  	s5 =	simm.s32 @p1 $0x1;
	p0 =	seq.s32 s7, s2  }
0x1e: {  	s7 =	smul.u32 @!p0 $0xF7A, s2;
	p2 =	seq.s32 @!p0 s5, $0x0  }
0x1f: {  	s9 =	smul.u32 $0xF7A, s1;
	s8 =	simm.s32 @!p0 $0x1BF5;
	p2 =	por !p2, p0  }
0x20: {  	[sflag:s8] =	ssyncset.s32 @!p0 $0xFFFFF086;
	s6 =	sadd.s32 @!p0 s3, s7;
	s7 =	simm.s32 @!p0 $0x108  }
0x21: {  	s3 =	sadd.s32 s3, s9;
	s6 =	sadd.s32 @!p0 $0x88, s6;
	s7 =	simm.s32 @p2 $0x1082  }
0x22: {  	[simem:s7], [sflag:s8] =	dma.local @!p0 [hbm:s6], $0xF7A  }
0x23: {  	s9 =	sor.u32 $0xD0000000, s2;
	s6 =	simm.s32 $0x108;
	_ =	swait.ge @!p0 [sflag:s8], $0x0  }
0x24: {  	s3 =	sadd.s32 $0x88, s3;
	s6 =	simm.s32 @!p1 $0x1082;
	[sflag:s4] =	ssyncset.s32 $0xFFFFF086  }
0x25: {  	[simem:s6], [sflag:s4] =	dma.local [hbm:s3], $0xF7A  }
0x26: {  	[smem:$0x3F98] =	sst s1;
	(tag) =	ssettag s2;
	_ =	strace s9  }
0x27: {  	s1 =	sld [smem:$0x3FA8]  }
0x28: {  	s2 =	sld [smem:$0x3FA9]  }
0x29: {  	s4 =	sld [smem:$0x3FAB]  }
0x2a: {  	p0 =	seq.s32 s5, $0x0;
	s5 =	sld [smem:$0x3FAC]  }
0x2b: {  	s6 =	sld [smem:$0x3FAD]  }
0x2c: {  	s7 =	sld [smem:$0x3FAE]  }
0x2d: {  	s3 =	simm.s32 $0x108;
	s8 =	sld [smem:$0x3FAF]  }
0x2e: {  	s3 =	simm.s32 @!p0 $0x1082;
	s9 =	sld [smem:$0x3FB0]  }
0x2f: {  	lr =	sadd.s32 s0, s3;
	s0 =	sld [smem:$0x3FA7]  }
0x30: {  	s3 =	sld [smem:$0x3FAA]  }
0x31: {  	[smem:$0x3FB3] =	sst s10  }
0x32: {  	s10 =	sld [smem:$0x3FB1];
	_ =	sdelay $0x3  }
0x33: {  	p0 =	seq.s32 s10, $0x1;
	s10 =	sld [smem:$0x3FB3];
	_ =	sdelay $0x3  }
0x34: {  	[smem:$0x3FB3] =	sst s10  }
0x35: {  	s10 =	sld [smem:$0x3FB2];
	_ =	sdelay $0x3  }
0x36: {  	p1 =	seq.s32 s10, $0x1;
	s10 =	sld [smem:$0x3FB3];
	_ =	sdelay $0x3  }
0x37: {  	[smem:$0x3FB3] =	sst s10  }
0x38: {  	s10 =	sld [smem:$0x3FB4]  }
0x39: {  	_ = 	snop;
	(pc) =	sbr.ind lr, $3  }
0x3a: {  	_ = 	snop  }
0x3b: {  	_ = 	snop  }
0x3c: {  	p2 =	seq.s32 s10, $0x1;
	s10 =	sld [smem:$0x3FB3]  }
0x3d: {  	_ =	shalt  }
0x3e: {  	_ =	shalt  }
0x3f: {  	_ =	shalt  }
0x40: {  	_ =	shalt  }
0x41: {  	_ =	shalt  }
0x42: {  	_ =	shalt  }
0x43: {  	_ =	shalt  }
0x44: {  	_ =	shalt  }
0x45: {  	_ =	shalt  }
0x46: {  	_ =	shalt  }
0x47: {  	_ =	shalt  }
0x48: {  	_ =	shalt  }
0x49: {  	_ =	shalt  }
0x4a: {  	_ =	shalt  }
0x4b: {  	_ =	shalt  }
0x4c: {  	_ =	shalt  }
0x4d: {  	_ =	shalt  }
0x4e: {  	_ =	shalt  }
0x4f: {  	_ =	shalt  }
0x50: {  	_ =	shalt  }
0x51: {  	_ =	shalt  }
0x52: {  	_ =	shalt  }
0x53: {  	_ =	shalt  }
0x54: {  	_ =	shalt  }
0x55: {  	_ =	shalt  }
0x56: {  	_ =	shalt  }
0x57: {  	_ =	shalt  }
0x58: {  	_ =	shalt  }
0x59: {  	_ =	shalt  }
0x5a: {  	_ =	shalt  }
0x5b: {  	_ =	shalt  }
0x5c: {  	_ =	shalt  }
0x5d: {  	_ =	shalt  }
0x5e: {  	_ =	shalt  }
0x5f: {  	_ =	shalt  }
0x60: {  	_ =	shalt  }
0x61: {  	_ =	shalt  }
0x62: {  	_ =	shalt  }
0x63: {  	_ =	shalt  }
0x64: {  	_ =	shalt  }
0x65: {  	_ =	shalt  }
0x66: {  	_ =	shalt  }
0x67: {  	_ =	shalt  }
0x68: {  	_ =	shalt  }
0x69: {  	_ =	shalt  }
0x6a: {  	_ =	shalt  }
0x6b: {  	_ =	shalt  }
0x6c: {  	_ =	shalt  }
0x6d: {  	_ =	shalt  }
0x6e: {  	_ =	shalt  }
0x6f: {  	_ =	shalt  }
0x70: {  	_ =	shalt  }
0x71: {  	_ =	shalt  }
0x72: {  	_ =	shalt  }
0x73: {  	_ =	shalt  }
0x74: {  	_ =	shalt  }
0x75: {  	_ =	shalt  }
0x76: {  	_ =	shalt  }
0x77: {  	_ =	shalt  }
0x78: {  	_ =	shalt  }
0x79: {  	_ =	shalt  }
0x7a: {  	_ =	shalt  }
0x7b: {  	_ =	shalt  }
0x7c: {  	_ =	shalt  }
0x7d: {  	_ =	shalt  }
0x7e: {  	_ =	shalt  }
0x7f: {  	_ =	shalt  }
0x80: {  	_ =	shalt  }
0x81: {  	_ =	shalt  }
0x82: {  	_ =	shalt  }
0x83: {  	_ =	shalt  }
0x84: {  	_ =	shalt  }
0x85: {  	_ =	shalt  }
0x86: {  	_ =	shalt  }
0x87: {  	_ =	shalt  }
.Lfunc_end0:
.L_simem_size_0:
called_computation_lowered:
.L_overlay_start_0:
0x88: {  	s2 =	sld [smem:$0x3FD9]  }
0x89: {  	s3 =	sld [smem:$0x3FFE];
	_ =	sdelay $0x1  }
0x8a: {  	s1 =	srdreg.scid  }
0x8b: {  	s0 =	sand.u32 $0x1, s1  }
0x8c: {  	s18 =	sshll.u32 s0, $0xA;
	s2 =	sadd.s32 s3, s2  }
0x8d: {  	s2 =	sadd.s32 s2, s18  }
0x8e: {  	[smem:$0x3FBF] =	sst s2  }
0x8f: {  	_ = 	snop  }
0x90: {  	s2 =	sld [smem:$0x3FC9]  }
0x91: {  	s19 =	sld [smem:$0x3FC6]  }
0x92: {  	s4 =	sld [smem:$0x3FD0];
	(tm) =	ssettm $0x1  }
0x93: {  	s5 =	sld [smem:$0x3FFB];
	_ =	sdelay $0x3  }
0x94: {  	_ =	strace s5  }
0x95: {  	s5 =	sld [smem:$0x3FFC];
	_ =	sdelay $0x3  }
0x96: {  	_ =	strace s5  }
0x97: {  	s5 =	sld [smem:$0x3FFD];
	_ =	sdelay $0x3  }
0x98: {  	_ =	strace s5  }
0x99: {  	_ =	strace $0x8FFFFFFF  }
0x9a: {  	s20 =	sld [smem:$0x3FDB];
	_ =	sdelay $0x1  }
0x9b: {  	s6 =	simm.s32 $_scs_section_size  }
0x9c: {  	s7 =	simm.s32 $_size__tile_overlayer_lowered;
	s8 =	simm.s32 $_tile_overlayer_lowered  }
0x9d: {  	s23 =	simm.s32 $0x1BFF;
	s22 =	sshll.u32 s8, $0x1;
	s5 =	sadd.s32 s6, s20  }
0x9e: {  	s9 =	simm.s32 $0x0;
	s21 =	sshll.u32 s7, $0x1;
	s7 =	sadd.s32 s22, s5  }
0x9f: {  	[timem:s9], [sflag:s23] =	dma.local [hbm:s7], s21  }
0xa0: {  	_ =	swait.ge [sflag:s23], s21  }
0xa1: {  	s6 =	ssub.s32 $0x0, s21;
	[sflag:s23] =	ssyncset.done $0x0  }
0xa2: {  	[sflag:s23] =	ssyncadd.s32 s6;
	_ =	sdelay $0x1  }
0xa3: {  	s24 =	simm.s32 $0x1B8B  }
0xa4: {  	_ =	swait.ge [sflag:s24], $0x1  }
0xa5: {  	[sflag:s24] =	ssyncset.done $0x0  }
0xa6: {  	s25 =	simm.s32 $0x1B8E;
	[sflag:s24] =	ssyncadd.s32 $0xFFFFFFFF  }
0xa7: {  	s26 =	simm.s32 $execute0_lowered;
	[smem:$0x3FD2] =	sst s25  }
0xa8: {  	s6 =	sshll.u32 s26, $0x1;
	_ =	strace $0x80000046;
	[dreg:$0x1] =	wrdreg $0xFFFFFFFF  }
0xa9: {  	s28 =	simm.s32 $_size_execute0_lowered;
	s5 =	sadd.s32 s5, s6;
	[dreg:$0x0] =	wrdreg $0x0  }
0xaa: {  	s6 =	sshll.u32 s28, $0x1;
	[dreg:$0x2] =	wrdreg s5  }
0xab: {  	[dreg:$0x3] =	wrdreg s6  }
0xac: {  	[dreg:$0x4] =	wrdreg $0xC0  }
0xad: {  	_ =	task [dreg:s9], $0x5FFFF  }
0xae: {  	[dreg:$0x1] =	wrdreg $0xFFFFFFFF  }
0xaf: {  	[dreg:$0x0] =	wrdreg $0x60  }
0xb0: {  	[dreg:$0x2] =	wrdreg s19  }
0xb1: {  	[dreg:$0x3] =	wrdreg s2  }
0xb2: {  	[dreg:$0x4] =	wrdreg s4  }
0xb3: {  	[dreg:$0x5] =	wrdreg $0x9  }
0xb4: {  	_ =	task.clear_ibuf [dreg:s9], $0x6FFFF;
	_ =	strace $0x90000046  }
0xb5: {  	s29 =	simm.s32 $0x9;
	_ =	strace $0x80000048  }
0xb6: {  	_ =	swait.ge [sflag:s29], $0x1  }
0xb7: {  	[sflag:s29] =	ssyncadd.s32 $0xFFFFFFFF  }
0xb8: {  	_ =	strace $0x90000048  }
0xb9: {  	_ =	sfence  }
0xba: {  	s30 =	sld [smem:$0x0];
	_ =	sdelay $0x2  }
0xbb: {  	s31 =	sshll.u32 s1, $0xD;
	s1 =	sshrl.u32 s1, $0x2  }
0xbc: {  	s3 =	sand.u32 $0x4000, s31;
	s1 =	sadd.s32 s1, s30  }
0xbd: {  	s0 =	sor.u32 s3, s0;
	s1 =	sshll.u32 s1, $0x11  }
0xbe: {  	s0 =	sor.u32 s1, s0  }
0xbf: {  	s0 =	sadd.s32 $0x8F2B, s0  }
0xc0: {  	[sflag:s0] =	ssyncadd.remote.s32 $0x1  }
0xc1: {  	_ =	sfence.sel $0xFFFF  }
0xc2: {  	[dreg:$0x0] =	wrdreg $0xFFFFFFFF;
	(pc) =	sbr.abs _section_cstart, $3  }
0xc3: {  	[dreg:$0x1] =	wrdreg $0xFFFFFFFF  }
0xc4: {  	_ =	task.clear_ibuf [dreg:s9], $0x2FFFF;
	_ =	strace $0x9FFFFFFF  }
0xc5: {  	(tm) =	ssettm $0x7FFFFFFF  }
tec
execute0_lowered:
.L_overlay_start_1:
0x0: {  	(tag) =	ssettag $0x1  }
0x1: {  	s1 =	srdreg.scid;
	s0 =	stileid.u32  }
0x2: {  	s11 =	sand.u32 $0x1, s1;
	s29 =	sshll.u32 s0, $0x1  }
0x3: {  	s12 =	sor.u32 s11, s29  }
0x4: {  	p1 =	seq.s32 s11, $0x1;
	p0 =	seq.s32 s12, $0x0  }
0x5: {  	p0 =	por !p0, !p1  }
0x6: {  	s2 =	simm.s32 $0x1;
	p0 =	por !p0, !p0  }
0x7: {  	s2 =	simm.s32 @!p0 $0x0  }
0x8: {  	s4 =	rddreg [dreg:$0x1];
	s2 =	ssub.s32 s0, s2  }
0x9: {  	s13 =	rddreg [dreg:$0x2];
	s3 =	sshll.u32 s2, $0x9  }
0xa: {  	s5 =	sshll.u32 s11, $0xB;
	s2 =	sshll.u32 s2, $0x7;
	s3 =	sand.u32 $0xFFFFF000, s3  }
0xb: {  	s1 =	rddreg [dreg:$0x0];
	s6 =	sand.u32 $0x380, s2;
	s5 =	sor.u32 s5, s3  }
0xc: {  	s2 =	rddreg [dreg:$0x3];
	s3 =	simm.s32 $0x0;
	s5 =	sor.u32 s6, s5  }
0xd: {  	[smem:$0x7FF] =	sst s3;
	s5 =	sshrl.u32 s5, $0x3  }
0xe: {  	_ =	strace $0x80000047;
	s5 =	sadd.s32 s4, s5;
	s4 =	simm.s32 $0x2  }
0xf: {  	[tilespmem:s3], [sflag:$0x2] =	stream.linear.gather [hbm4b:s5+s3], $0x80, $0x38;
	[tilespmem:$0x8100] =	vst v63  }
0x10: {  	_ =	swait.ge [sflag:s4], $0x80  }
0x11: {  	[sflag:s4] =	ssyncset.done $0x0  }
0x12: {  	s7 =	simm.s32 $0x80;
	s6 =	sadd.s32 $0x80, s5;
	[sflag:s4] =	ssyncadd.s32 $0xFFFFFF80  }
0x13: {  	[tilespmem:s7], [sflag:$0x2] =	stream.linear.gather [hbm4b:s6+s3], $0x80, $0x38;
	[tilespmem:$0x8100] =	vst v63  }
0x14: {  	_ =	swait.ge [sflag:s4], $0x80  }
0x15: {  	[sflag:s4] =	ssyncset.done $0x0  }
0x16: {  	s8 =	simm.s32 $0x100;
	[sflag:s4] =	ssyncadd.s32 $0xFFFFFF80  }
0x17: {  	[tilespmem:s8], [sflag:$0x1] =	stream.indirect.gather [hbm4b:s1+s7], $0x80, s3, s7, $0xb8;
	[tilespmem:$0x8100] =	vst v63  }
0x18: {  	s9 =	simm.s32 $0x1;
	s10 =	simm.s32 $0x4100;
	s11 =	ssub.s32 $0x2, s11  }
0x19: {  	[tilespmem:s10], [sflag:$0x1] =	stream.indirect.gather [hbm4b:s1+s7], $0x80, s7, s7, $0xb8;
	[tilespmem:$0x8100] =	vst v63  }
0x1a: {  	s14 =	sshrl.u32 s11, $0x1;
	_ =	swait.ge [sflag:s9], $0x4000  }
0x1b: {  	s14 =	ssub.s32 s11, s14;
	[sflag:s9] =	ssyncset.done $0x0  }
0x1c: {  	s31 =	smax.u32 s14, $0x1;
	[sflag:s9] =	ssyncadd.s32 $0xFFFFC000  }
0x1d: {  	p0 =	sne.s32 s31, $0x1;
	_ =	swait.ge [sflag:s9], $0x4000  }
.Ltmp0:
0x1e: {  	s30 =	sshll.u32 s12, $0xC;
	[sflag:s9] =	ssyncset.done $0x0;
	(pc) =	sbr.rel @!p0 .LBB2_2-.Ltmp0, $4  }
0x1f: {  	s11 =	sadd.s32 s13, s30;
	[sflag:s9] =	ssyncadd.s32 $0xFFFFC000  }
0x20: {  	[hbm4b:s11+s3] =	stream.linear.scatter [tilespmem:s8], [sflag:$0x2], $0x8000, $0x38;
	[tilespmem:$0x8100] =	vst v63  }
0x21: {  	_ =	swait.ge [sflag:s4], $0x8000  }
0x22: {  	s12 =	sadd.s32 $0xFFFFFFFF, s31;
	[sflag:s4] =	ssyncset.done $0x0  }
.LBB2_1:
0x23: {  	p0 =	sne.s32 s12, $0x1;
	s12 =	sadd.s32 $0xFFFFFFFF, s12;
	[sflag:s4] =	ssyncadd.s32 $0xFFFF8000  }
0x24: {  	[tilespmem:s3], [sflag:$0x2] =	stream.linear.gather [hbm4b:s5+s3], $0x80, $0x38;
	[tilespmem:$0x8100] =	vst v63  }
0x25: {  	_ =	swait.ge [sflag:s4], $0x80  }
0x26: {  	[sflag:s4] =	ssyncset.done $0x0  }
0x27: {  	[sflag:s4] =	ssyncadd.s32 $0xFFFFFF80  }
0x28: {  	[tilespmem:s7], [sflag:$0x2] =	stream.linear.gather [hbm4b:s6+s3], $0x80, $0x38;
	[tilespmem:$0x8100] =	vst v63  }
0x29: {  	_ =	swait.ge [sflag:s4], $0x80  }
0x2a: {  	[sflag:s4] =	ssyncset.done $0x0  }
0x2b: {  	[sflag:s4] =	ssyncadd.s32 $0xFFFFFF80  }
0x2c: {  	[tilespmem:s8], [sflag:$0x1] =	stream.indirect.gather [hbm4b:s1+s7], $0x80, s3, s7, $0xb8;
	[tilespmem:$0x8100] =	vst v63  }
0x2d: {  	_ = 	snop  }
0x2e: {  	[tilespmem:s10], [sflag:$0x1] =	stream.indirect.gather [hbm4b:s1+s7], $0x80, s7, s7, $0xb8;
	[tilespmem:$0x8100] =	vst v63  }
0x2f: {  	_ =	swait.ge [sflag:s9], $0x4000  }
0x30: {  	[sflag:s9] =	ssyncset.done $0x0  }
0x31: {  	[sflag:s9] =	ssyncadd.s32 $0xFFFFC000  }
0x32: {  	_ =	swait.ge [sflag:s9], $0x4000  }
.Ltmp1:
0x33: {  	[sflag:s9] =	ssyncset.done $0x0;
	(pc) =	sbr.rel @p0 .LBB2_1-.Ltmp1, $4  }
0x34: {  	[sflag:s9] =	ssyncadd.s32 $0xFFFFC000  }
0x35: {  	[hbm4b:s11+s3] =	stream.linear.scatter [tilespmem:s8], [sflag:$0x2], $0x8000, $0x38;
	[tilespmem:$0x8100] =	vst v63  }
0x36: {  	_ =	swait.ge [sflag:s4], $0x8000  }
0x37: {  	[sflag:s4] =	ssyncset.done $0x0  }
.LBB2_2:
0x38: {  	[sflag:s4] =	ssyncadd.s32 $0xFFFF8000  }
0x39: {  	_ =	sfence.sel $0x180000  }
0x3a: {  	[bflag:$0x0] =	sbarrier.arrive $0xFFFF  }
0x3b: {  	p0 =	sne.s32 s0, $0x0;
	_ =	strace $0x90000047  }
0x3c: {  	s0 =	sadd.s32 @!p0 $0x100000, s2;
	[bflag:$0x2] =	sbarrier.arrive $0xFFFF  }
0x3d: {  	[sflag:s0] =	ssyncadd.tile.s32 @!p0 $0x1;
	_ =	shalt  }
.Lfunc_end2:
_tile_overlayer_lowered:
.L_overlay_start_2:
0x3e: {  	(tag) =	ssettag $0x2  }
0x3f: {  	s0 =	rddreg [dreg:$0x0];
	s2 =	stileid.u32  }
0x40: {  	s1 =	rddreg [dreg:$0x1];
	p0 =	sne.s32 s2, $0x0  }
0x41: {  	s3 =	rddreg [dreg:$0x2];
	[bflag:$0x3] =	sbarrier.arrive $0xFFFF;
	s2 =	simm.s32 @!p0 $0x1C02  }
0x42: {  	[timem:s3], [sflag:s2] =	dma.local @!p0 [hbm:s0], s1  }
0x43: {  	s0 =	simm.s32 @!p0 $0x2  }
0x44: {  	_ =	swait.ge @!p0 [sflag:s0], s1  }
0x45: {  	s1 =	ssub.s32 @!p0 $0x0, s1;
	[sflag:s0] =	ssyncset.done @!p0 $0x0  }
0x46: {  	[sflag:s0] =	ssyncadd.s32 @!p0 s1  }
0x47: {  	[bflag:$0x3] =	sbarrier.arrive $0xFFFF  }
0x48: {  	_ =	shalt  }

</sc_bundles>
